<compile_context>
chip_gen: v7x
topology: tpu7x:2x2x1
jax: 0.10.2.dev20260603
libtpu: 0.0.44.dev20260713+nightly
codegen_flags: <defaults>
</compile_context>

<pallas_src>
import math

import jax
import jax.numpy as jnp
from jax import lax
from jax.experimental import pallas as pl
from jax.experimental.pallas import tpu as pltpu
from jax.experimental.pallas import tpu_sc as plsc

N = 4096
D = 512
H = 4
HD = D // H
E = 131072
BQ = 256
BKV = 256
NEG = -1e30

SC_CORES = 2
SC_TILES = 16
EPW = E // (SC_CORES * SC_TILES)


def _scatter_body(edge_ref, val_ref, mask_ref, rbuf, cbuf, idx1d, val1d,
                  sem, sem2):
    core = lax.axis_index("c")
    sub = lax.axis_index("s")
    wid = sub * SC_CORES + core
    h_r = pltpu.async_copy(edge_ref.at[pl.ds(wid * EPW, EPW)], rbuf, sem2)
    h_c = pltpu.async_copy(edge_ref.at[pl.ds(E + wid * EPW, EPW)], cbuf, sem2)
    pltpu.sync_copy(val_ref, val1d)
    h_r.wait()
    h_c.wait()

    def compute_row(j, carry):
        for i in range(8):
            off = j * 128 + i * 16
            rv = rbuf[pl.ds(off, 16)]
            cv = cbuf[pl.ds(off, 16)]
            idx1d[pl.ds(off, 16)] = rv * N + cv
        return carry

    lax.fori_loop(0, EPW // 128, compute_row, 0)

    pltpu.async_copy(val1d, mask_ref.at[idx1d], sem).wait()


def _build_mask(edge_flat, val_arr, mask_ref):
    mesh = plsc.VectorSubcoreMesh(core_axis_name="c", subcore_axis_name="s",
                                  num_cores=SC_CORES)
    f = pl.kernel(
        _scatter_body,
        mesh=mesh,
        out_type=(),
        scratch_types=[
            pltpu.VMEM((EPW,), jnp.int32),
            pltpu.VMEM((EPW,), jnp.int32),
            pltpu.VMEM((EPW,), jnp.int32),
            pltpu.VMEM((EPW,), jnp.float32),
            pltpu.SemaphoreType.DMA,
            pltpu.SemaphoreType.DMA,
        ],
    )
    return f(edge_flat, val_arr, mask_ref)


def _kv_proj_body(x_ref, wk_ref, bk_ref, wv_ref, bv_ref, k_ref, v_ref):
    x = x_ref[...]
    dn = (((1,), (1,)), ((), ()))
    k = lax.dot_general(x, wk_ref[...], dn,
                        preferred_element_type=jnp.float32) + bk_ref[...]
    v = lax.dot_general(x, wv_ref[...], dn,
                        preferred_element_type=jnp.float32) + bv_ref[...]
    k_ref[...] = k.astype(jnp.bfloat16)
    v_ref[...] = v.astype(jnp.bfloat16)


def _attn_body(x_ref, wq_ref, bq_ref, k_ref, v_ref, mask_ref, wo_ref, bo_ref,
               out_ref):
    dn = (((1,), (1,)), ((), ()))
    x = x_ref[...].astype(jnp.bfloat16)
    q = lax.dot_general(x, wq_ref[...].astype(jnp.bfloat16), dn,
                        preferred_element_type=jnp.float32) + bq_ref[...]
    q = q * (1.0 / math.sqrt(HD))
    bias = mask_ref[...]
    heads = []
    for h in range(H):
        sl = slice(h * HD, (h + 1) * HD)
        qh = q[:, sl].astype(jnp.bfloat16)
        kh = k_ref[:, sl]
        s = lax.dot_general(qh, kh, dn, preferred_element_type=jnp.float32)
        s = s + bias
        m = jnp.max(s, axis=1, keepdims=True)
        valid = m > -0.5e30
        e = jnp.exp(s - m)
        l = jnp.sum(e, axis=1, keepdims=True)
        acc = jnp.dot(e.astype(jnp.bfloat16), v_ref[:, sl],
                      preferred_element_type=jnp.float32)
        heads.append(jnp.where(valid, acc / jnp.maximum(l, 1e-30), 0.0))
    att = jnp.concatenate(heads, axis=1)
    out_ref[...] = lax.dot_general(att, wo_ref[...], dn,
                                   preferred_element_type=jnp.float32) + bo_ref[...]


@jax.jit
def _run(x, edge_index, Wq, bq, Wk, bk, Wv, bv, Wo, bo):
    interpret = False
    edge_flat = edge_index.reshape(2 * E)
    zeros_scat = jnp.zeros((EPW,), jnp.float32)
    mref = jax.new_ref(jnp.full((N * N,), NEG, jnp.float32))
    _build_mask(edge_flat, zeros_scat, mref)
    mask = mref[...].reshape(N, N)

    bk2 = bk.reshape(1, D)
    bv2 = bv.reshape(1, D)
    bq2 = bq.reshape(1, D)
    bo2 = bo.reshape(1, D)

    full = lambda i: (0, 0)
    kv = pl.pallas_call(
        _kv_proj_body,
        grid=(N // BKV,),
        in_specs=[
            pl.BlockSpec((BKV, D), lambda i: (i, 0)),
            pl.BlockSpec((D, D), full),
            pl.BlockSpec((1, D), full),
            pl.BlockSpec((D, D), full),
            pl.BlockSpec((1, D), full),
        ],
        out_specs=[
            pl.BlockSpec((BKV, D), lambda i: (i, 0)),
            pl.BlockSpec((BKV, D), lambda i: (i, 0)),
        ],
        out_shape=[
            jax.ShapeDtypeStruct((N, D), jnp.bfloat16),
            jax.ShapeDtypeStruct((N, D), jnp.bfloat16),
        ],
        interpret=interpret,
    )
    k, v = kv(x, Wk, bk2, Wv, bv2)

    attn = pl.pallas_call(
        _attn_body,
        grid=(N // BQ,),
        in_specs=[
            pl.BlockSpec((BQ, D), lambda i: (i, 0)),
            pl.BlockSpec((D, D), full),
            pl.BlockSpec((1, D), full),
            pl.BlockSpec((N, D), full),
            pl.BlockSpec((N, D), full),
            pl.BlockSpec((BQ, N), lambda i: (i, 0)),
            pl.BlockSpec((D, D), full),
            pl.BlockSpec((1, D), full),
        ],
        out_specs=pl.BlockSpec((BQ, D), lambda i: (i, 0)),
        out_shape=jax.ShapeDtypeStruct((N, D), jnp.float32),
        interpret=interpret,
    )
    return attn(x, Wq, bq2, k, v, mask, Wo, bo2)


def kernel(x, edge_index, Wq, bq, Wk, bk, Wv, bv, Wo, bo):
    return _run(x, edge_index, Wq, bq, Wk, bk, Wv, bv, Wo, bo)

# --- scband reference (transcript-rebuilt; emitter-appended) ---
"""Pipeline reference for scband-graph-masked-attention-81080392613994 (READ-ONLY COPY).

The authoritative reference and input builder live on the scoring server;
editing this copy changes nothing except your own understanding.
"""

import jax, jax.numpy as jnp
import numpy as np

N = 4096
D = 512
H = 4
HD = D // H
E = 131072


def setup_inputs(seed: int = 0) -> dict:
    key = jax.random.key(seed)
    ks = jax.random.split(key, 12)
    x = jax.random.normal(ks[0], (N, D), dtype=jnp.float32)
    edge_index = jax.random.randint(ks[1], (2, E), 0, N, dtype=jnp.int32)
    scale = 1.0 / np.sqrt(D)
    Wq = jax.random.normal(ks[2], (D, D), dtype=jnp.float32) * scale
    bq = jnp.zeros((D,), dtype=jnp.float32)
    Wk = jax.random.normal(ks[3], (D, D), dtype=jnp.float32) * scale
    bk = jnp.zeros((D,), dtype=jnp.float32)
    Wv = jax.random.normal(ks[4], (D, D), dtype=jnp.float32) * scale
    bv = jnp.zeros((D,), dtype=jnp.float32)
    Wo = jax.random.normal(ks[5], (D, D), dtype=jnp.float32) * scale
    bo = jnp.zeros((D,), dtype=jnp.float32)
    return {"x": x, "edge_index": edge_index, "Wq": Wq, "bq": bq, "Wk": Wk, "bk": bk, "Wv": Wv, "bv": bv, "Wo": Wo, "bo": bo}


def reference(x, edge_index, Wq, bq, Wk, bk, Wv, bv, Wo, bo):
    n = x.shape[0]
    # Build dense boolean adjacency mask (scatter-overwrite)
    adj = jnp.zeros((n, n), dtype=bool).at[edge_index[0], edge_index[1]].set(True)
    # Projections (torch Linear: y = x @ W.T + b)
    q = (x @ Wq.T + bq).reshape(n, H, HD).transpose(1, 0, 2)
    k = (x @ Wk.T + bk).reshape(n, H, HD).transpose(1, 0, 2)
    v = (x @ Wv.T + bv).reshape(n, H, HD).transpose(1, 0, 2)
    # Scaled dot-product attention restricted to graph edges
    scores = jnp.einsum('hqd,hkd->hqk', q, k) / jnp.sqrt(jnp.float32(HD))
    neg = jnp.float32(-1e30)
    masked = jnp.where(adj[None, :, :], scores, neg)
    m = jnp.max(masked, axis=-1, keepdims=True)
    e = jnp.where(adj[None, :, :], jnp.exp(masked - m), 0.0)
    s = jnp.sum(e, axis=-1, keepdims=True)
    p = e / jnp.maximum(s, jnp.float32(1e-30))
    out = jnp.einsum('hqk,hkd->hqd', p, v)
    out = out.transpose(1, 0, 2).reshape(n, D)
    out = out @ Wo.T + bo
    return out

if __name__ == "__main__":
    import jax
    _d = setup_inputs()
    print(jax.jit(kernel)(*tuple(_d.values())))

</pallas_src>

<mosaic_0001>
#map = affine_map<(d0, d1) -> (0)>
module attributes {stable_mosaic.version = 14 : i64} {
  func.func @new_body(%arg0: i32, %arg1: i32, %arg2: memref<262144xi32, #tpu.memory_space<hbm>>, %arg3: memref<4096xf32, #tpu.memory_space<hbm>>, %arg4: memref<16777216xf32, #tpu.memory_space<hbm>>, %arg5: memref<16777216xf32, #tpu.memory_space<hbm>>, %arg6: memref<4096xi32, #tpu.memory_space<vmem>>, %arg7: memref<4096xi32, #tpu.memory_space<vmem>>, %arg8: memref<4096xi32, #tpu.memory_space<vmem>>, %arg9: memref<4096xf32, #tpu.memory_space<vmem>>, %arg10: memref<!tpu.dma_semaphore, #tpu.memory_space<semaphore_mem>>, %arg11: memref<!tpu.dma_semaphore, #tpu.memory_space<semaphore_mem>>) attributes {dimension_semantics = [#tpu.dimension_semantics<core_parallel>, #tpu.dimension_semantics<subcore_parallel>], iteration_bounds = array<i64: 2, 16>, scalar_prefetch = 0 : i64, scratch_operands = 6 : i64, tpu.core_type = #tpu.core_type<sc_vector_subcore>, window_params = [{transform_indices = #map}, {transform_indices = #map}, {transform_indices = #map}, {transform_indices = #map}]} {
    %mul3A = arith.constant 2 : i32
    %mul3A_0 = arith.muli %arg1, %mul3A : i32
    %add3A = arith.addi %mul3A_0, %arg0 : i32
    %mul3A_1 = arith.constant 4096 : i32
    %mul3A_2 = arith.muli %add3A, %mul3A_1 : i32
    %dma_start3A = tpu.memref_slice %arg2[%mul3A_2] : memref<262144xi32, #tpu.memory_space<hbm>> -> memref<4096xi32, #tpu.memory_space<hbm>>
    %dma_start3A_3 = tpu.memref_slice %arg2[%mul3A_2] : memref<262144xi32, #tpu.memory_space<hbm>> -> memref<4096xi32, #tpu.memory_space<hbm>>
    tpu.enqueue_dma source(%dma_start3A_3 : memref<4096xi32, #tpu.memory_space<hbm>>) target(%arg6 : memref<4096xi32, #tpu.memory_space<vmem>>) target_semaphore(%arg11 : memref<!tpu.dma_semaphore, #tpu.memory_space<semaphore_mem>>)
    %mul3A_4 = arith.constant 4096 : i32
    %mul3A_5 = arith.muli %add3A, %mul3A_4 : i32
    %add3A_6 = arith.constant 131072 : i32
    %add3A_7 = arith.addi %add3A_6, %mul3A_5 : i32
    %dma_start3A_8 = tpu.memref_slice %arg2[%add3A_7] : memref<262144xi32, #tpu.memory_space<hbm>> -> memref<4096xi32, #tpu.memory_space<hbm>>
    %dma_start3A_9 = tpu.memref_slice %arg2[%add3A_7] : memref<262144xi32, #tpu.memory_space<hbm>> -> memref<4096xi32, #tpu.memory_space<hbm>>
    tpu.enqueue_dma source(%dma_start3A_9 : memref<4096xi32, #tpu.memory_space<hbm>>) target(%arg7 : memref<4096xi32, #tpu.memory_space<vmem>>) target_semaphore(%arg11 : memref<!tpu.dma_semaphore, #tpu.memory_space<semaphore_mem>>)
    "tpu.region"() ({
      %run_scoped3A = tpu.sem_alloc : memref<!tpu.dma_semaphore, #tpu.memory_space<semaphore_mem>>
      tpu.enqueue_dma source(%arg3 : memref<4096xf32, #tpu.memory_space<hbm>>) target(%arg9 : memref<4096xf32, #tpu.memory_space<vmem>>) target_semaphore(%run_scoped3A : memref<!tpu.dma_semaphore, #tpu.memory_space<semaphore_mem>>)
      tpu.wait_dma2 semaphore(%run_scoped3A : memref<!tpu.dma_semaphore, #tpu.memory_space<semaphore_mem>>) src(%arg3 : memref<4096xf32, #tpu.memory_space<hbm>>) dst(%arg9 : memref<4096xf32, #tpu.memory_space<vmem>>)
      tpu.yield
    }) : () -> ()
    %dma_wait3A = tpu.memref_slice %arg2[%mul3A_2] : memref<262144xi32, #tpu.memory_space<hbm>> -> memref<4096xi32, #tpu.memory_space<hbm>>
    %dma_wait3A_10 = tpu.memref_slice %arg2[%mul3A_2] : memref<262144xi32, #tpu.memory_space<hbm>> -> memref<4096xi32, #tpu.memory_space<hbm>>
    tpu.wait_dma2 semaphore(%arg11 : memref<!tpu.dma_semaphore, #tpu.memory_space<semaphore_mem>>) src(%dma_wait3A_10 : memref<4096xi32, #tpu.memory_space<hbm>>) dst(%arg6 : memref<4096xi32, #tpu.memory_space<vmem>>)
    %dma_wait3A_11 = tpu.memref_slice %arg2[%add3A_7] : memref<262144xi32, #tpu.memory_space<hbm>> -> memref<4096xi32, #tpu.memory_space<hbm>>
    %dma_wait3A_12 = tpu.memref_slice %arg2[%add3A_7] : memref<262144xi32, #tpu.memory_space<hbm>> -> memref<4096xi32, #tpu.memory_space<hbm>>
    tpu.wait_dma2 semaphore(%arg11 : memref<!tpu.dma_semaphore, #tpu.memory_space<semaphore_mem>>) src(%dma_wait3A_12 : memref<4096xi32, #tpu.memory_space<hbm>>) dst(%arg7 : memref<4096xi32, #tpu.memory_space<vmem>>)
    %scan3A = arith.constant 0 : i32
    %scan3A_13 = arith.constant 0 : i32
    %scan3A_14 = arith.constant 32 : i32
    %scan3A_15 = arith.addi %scan3A_13, %scan3A_14 : i32
    %scan3A_16 = arith.constant 1 : i32
    scf.for %scan3A_22 = %scan3A_13 to %scan3A_15 step %scan3A_16  : i32 {
      %mul3A_23 = arith.constant 128 : i32
      %mul3A_24 = arith.muli %scan3A_22, %mul3A_23 : i32
      %add3A_25 = arith.constant 0 : i32
      %add3A_26 = arith.addi %mul3A_24, %add3A_25 : i32
      %get3A = arith.index_cast %add3A_26 : i32 to index
      %get3A_27 = tpu.vector_load %arg6[%get3A] {strides = array<i32>} : memref<4096xi32, #tpu.memory_space<vmem>>, vector<16xi32>,
      %get3A_28 = vector.shape_cast %get3A_27 : vector<16xi32> to vector<16xi32>
      %get3A_29 = arith.index_cast %add3A_26 : i32 to index
      %get3A_30 = tpu.vector_load %arg7[%get3A_29] {strides = array<i32>} : memref<4096xi32, #tpu.memory_space<vmem>>, vector<16xi32>,
      %get3A_31 = vector.shape_cast %get3A_30 : vector<16xi32> to vector<16xi32>
      %mul3A_32 = arith.constant 4096 : i32
      %mul3A_33 = vector.broadcast %mul3A_32 : i32 to vector<16xi32>
      %mul3A_34 = arith.muli %get3A_28, %mul3A_33 : vector<16xi32>
      %add3A_35 = arith.addi %mul3A_34, %get3A_31 : vector<16xi32>
      %swap3A = arith.index_cast %add3A_26 : i32 to index
      %swap3A_36 = tpu.vector_load %arg8[%swap3A] {strides = array<i32>} : memref<4096xi32, #tpu.memory_space<vmem>>, vector<16xi32>,
      %swap3A_37 = vector.shape_cast %swap3A_36 : vector<16xi32> to vector<16xi32>
      %swap3A_38 = vector.shape_cast %add3A_35 : vector<16xi32> to vector<16xi32>
      tpu.vector_store %arg8[%swap3A], %swap3A_38 {strides = array<i32>} : memref<4096xi32, #tpu.memory_space<vmem>>, vector<16xi32>,
      %mul3A_39 = arith.constant 128 : i32
      %mul3A_40 = arith.muli %scan3A_22, %mul3A_39 : i32
      %add3A_41 = arith.constant 16 : i32
      %add3A_42 = arith.addi %mul3A_40, %add3A_41 : i32
      %get3A_43 = arith.index_cast %add3A_42 : i32 to index
      %get3A_44 = tpu.vector_load %arg6[%get3A_43] {strides = array<i32>} : memref<4096xi32, #tpu.memory_space<vmem>>, vector<16xi32>,
      %get3A_45 = vector.shape_cast %get3A_44 : vector<16xi32> to vector<16xi32>
      %get3A_46 = arith.index_cast %add3A_42 : i32 to index
      %get3A_47 = tpu.vector_load %arg7[%get3A_46] {strides = array<i32>} : memref<4096xi32, #tpu.memory_space<vmem>>, vector<16xi32>,
      %get3A_48 = vector.shape_cast %get3A_47 : vector<16xi32> to vector<16xi32>
      %mul3A_49 = arith.constant 4096 : i32
      %mul3A_50 = vector.broadcast %mul3A_49 : i32 to vector<16xi32>
      %mul3A_51 = arith.muli %get3A_45, %mul3A_50 : vector<16xi32>
      %add3A_52 = arith.addi %mul3A_51, %get3A_48 : vector<16xi32>
      %swap3A_53 = arith.index_cast %add3A_42 : i32 to index
      %swap3A_54 = tpu.vector_load %arg8[%swap3A_53] {strides = array<i32>} : memref<4096xi32, #tpu.memory_space<vmem>>, vector<16xi32>,
      %swap3A_55 = vector.shape_cast %swap3A_54 : vector<16xi32> to vector<16xi32>
      %swap3A_56 = vector.shape_cast %add3A_52 : vector<16xi32> to vector<16xi32>
      tpu.vector_store %arg8[%swap3A_53], %swap3A_56 {strides = array<i32>} : memref<4096xi32, #tpu.memory_space<vmem>>, vector<16xi32>,
      %mul3A_57 = arith.constant 128 : i32
      %mul3A_58 = arith.muli %scan3A_22, %mul3A_57 : i32
      %add3A_59 = arith.constant 32 : i32
      %add3A_60 = arith.addi %mul3A_58, %add3A_59 : i32
      %get3A_61 = arith.index_cast %add3A_60 : i32 to index
      %get3A_62 = tpu.vector_load %arg6[%get3A_61] {strides = array<i32>} : memref<4096xi32, #tpu.memory_space<vmem>>, vector<16xi32>,
      %get3A_63 = vector.shape_cast %get3A_62 : vector<16xi32> to vector<16xi32>
      %get3A_64 = arith.index_cast %add3A_60 : i32 to index
      %get3A_65 = tpu.vector_load %arg7[%get3A_64] {strides = array<i32>} : memref<4096xi32, #tpu.memory_space<vmem>>, vector<16xi32>,
      %get3A_66 = vector.shape_cast %get3A_65 : vector<16xi32> to vector<16xi32>
      %mul3A_67 = arith.constant 4096 : i32
      %mul3A_68 = vector.broadcast %mul3A_67 : i32 to vector<16xi32>
      %mul3A_69 = arith.muli %get3A_63, %mul3A_68 : vector<16xi32>
      %add3A_70 = arith.addi %mul3A_69, %get3A_66 : vector<16xi32>
      %swap3A_71 = arith.index_cast %add3A_60 : i32 to index
      %swap3A_72 = tpu.vector_load %arg8[%swap3A_71] {strides = array<i32>} : memref<4096xi32, #tpu.memory_space<vmem>>, vector<16xi32>,
      %swap3A_73 = vector.shape_cast %swap3A_72 : vector<16xi32> to vector<16xi32>
      %swap3A_74 = vector.shape_cast %add3A_70 : vector<16xi32> to vector<16xi32>
      tpu.vector_store %arg8[%swap3A_71], %swap3A_74 {strides = array<i32>} : memref<4096xi32, #tpu.memory_space<vmem>>, vector<16xi32>,
      %mul3A_75 = arith.constant 128 : i32
      %mul3A_76 = arith.muli %scan3A_22, %mul3A_75 : i32
      %add3A_77 = arith.constant 48 : i32
      %add3A_78 = arith.addi %mul3A_76, %add3A_77 : i32
      %get3A_79 = arith.index_cast %add3A_78 : i32 to index
      %get3A_80 = tpu.vector_load %arg6[%get3A_79] {strides = array<i32>} : memref<4096xi32, #tpu.memory_space<vmem>>, vector<16xi32>,
      %get3A_81 = vector.shape_cast %get3A_80 : vector<16xi32> to vector<16xi32>
      %get3A_82 = arith.index_cast %add3A_78 : i32 to index
      %get3A_83 = tpu.vector_load %arg7[%get3A_82] {strides = array<i32>} : memref<4096xi32, #tpu.memory_space<vmem>>, vector<16xi32>,
      %get3A_84 = vector.shape_cast %get3A_83 : vector<16xi32> to vector<16xi32>
      %mul3A_85 = arith.constant 4096 : i32
      %mul3A_86 = vector.broadcast %mul3A_85 : i32 to vector<16xi32>
      %mul3A_87 = arith.muli %get3A_81, %mul3A_86 : vector<16xi32>
      %add3A_88 = arith.addi %mul3A_87, %get3A_84 : vector<16xi32>
      %swap3A_89 = arith.index_cast %add3A_78 : i32 to index
      %swap3A_90 = tpu.vector_load %arg8[%swap3A_89] {strides = array<i32>} : memref<4096xi32, #tpu.memory_space<vmem>>, vector<16xi32>,
      %swap3A_91 = vector.shape_cast %swap3A_90 : vector<16xi32> to vector<16xi32>
      %swap3A_92 = vector.shape_cast %add3A_88 : vector<16xi32> to vector<16xi32>
      tpu.vector_store %arg8[%swap3A_89], %swap3A_92 {strides = array<i32>} : memref<4096xi32, #tpu.memory_space<vmem>>, vector<16xi32>,
      %mul3A_93 = arith.constant 128 : i32
      %mul3A_94 = arith.muli %scan3A_22, %mul3A_93 : i32
      %add3A_95 = arith.constant 64 : i32
      %add3A_96 = arith.addi %mul3A_94, %add3A_95 : i32
      %get3A_97 = arith.index_cast %add3A_96 : i32 to index
      %get3A_98 = tpu.vector_load %arg6[%get3A_97] {strides = array<i32>} : memref<4096xi32, #tpu.memory_space<vmem>>, vector<16xi32>,
      %get3A_99 = vector.shape_cast %get3A_98 : vector<16xi32> to vector<16xi32>
      %get3A_100 = arith.index_cast %add3A_96 : i32 to index
      %get3A_101 = tpu.vector_load %arg7[%get3A_100] {strides = array<i32>} : memref<4096xi32, #tpu.memory_space<vmem>>, vector<16xi32>,
      %get3A_102 = vector.shape_cast %get3A_101 : vector<16xi32> to vector<16xi32>
      %mul3A_103 = arith.constant 4096 : i32
      %mul3A_104 = vector.broadcast %mul3A_103 : i32 to vector<16xi32>
      %mul3A_105 = arith.muli %get3A_99, %mul3A_104 : vector<16xi32>
      %add3A_106 = arith.addi %mul3A_105, %get3A_102 : vector<16xi32>
      %swap3A_107 = arith.index_cast %add3A_96 : i32 to index
      %swap3A_108 = tpu.vector_load %arg8[%swap3A_107] {strides = array<i32>} : memref<4096xi32, #tpu.memory_space<vmem>>, vector<16xi32>,
      %swap3A_109 = vector.shape_cast %swap3A_108 : vector<16xi32> to vector<16xi32>
      %swap3A_110 = vector.shape_cast %add3A_106 : vector<16xi32> to vector<16xi32>
      tpu.vector_store %arg8[%swap3A_107], %swap3A_110 {strides = array<i32>} : memref<4096xi32, #tpu.memory_space<vmem>>, vector<16xi32>,
      %mul3A_111 = arith.constant 128 : i32
      %mul3A_112 = arith.muli %scan3A_22, %mul3A_111 : i32
      %add3A_113 = arith.constant 80 : i32
      %add3A_114 = arith.addi %mul3A_112, %add3A_113 : i32
      %get3A_115 = arith.index_cast %add3A_114 : i32 to index
      %get3A_116 = tpu.vector_load %arg6[%get3A_115] {strides = array<i32>} : memref<4096xi32, #tpu.memory_space<vmem>>, vector<16xi32>,
      %get3A_117 = vector.shape_cast %get3A_116 : vector<16xi32> to vector<16xi32>
      %get3A_118 = arith.index_cast %add3A_114 : i32 to index
      %get3A_119 = tpu.vector_load %arg7[%get3A_118] {strides = array<i32>} : memref<4096xi32, #tpu.memory_space<vmem>>, vector<16xi32>,
      %get3A_120 = vector.shape_cast %get3A_119 : vector<16xi32> to vector<16xi32>
      %mul3A_121 = arith.constant 4096 : i32
      %mul3A_122 = vector.broadcast %mul3A_121 : i32 to vector<16xi32>
      %mul3A_123 = arith.muli %get3A_117, %mul3A_122 : vector<16xi32>
      %add3A_124 = arith.addi %mul3A_123, %get3A_120 : vector<16xi32>
      %swap3A_125 = arith.index_cast %add3A_114 : i32 to index
      %swap3A_126 = tpu.vector_load %arg8[%swap3A_125] {strides = array<i32>} : memref<4096xi32, #tpu.memory_space<vmem>>, vector<16xi32>,
      %swap3A_127 = vector.shape_cast %swap3A_126 : vector<16xi32> to vector<16xi32>
      %swap3A_128 = vector.shape_cast %add3A_124 : vector<16xi32> to vector<16xi32>
      tpu.vector_store %arg8[%swap3A_125], %swap3A_128 {strides = array<i32>} : memref<4096xi32, #tpu.memory_space<vmem>>, vector<16xi32>,
      %mul3A_129 = arith.constant 128 : i32
      %mul3A_130 = arith.muli %scan3A_22, %mul3A_129 : i32
      %add3A_131 = arith.constant 96 : i32
      %add3A_132 = arith.addi %mul3A_130, %add3A_131 : i32
      %get3A_133 = arith.index_cast %add3A_132 : i32 to index
      %get3A_134 = tpu.vector_load %arg6[%get3A_133] {strides = array<i32>} : memref<4096xi32, #tpu.memory_space<vmem>>, vector<16xi32>,
      %get3A_135 = vector.shape_cast %get3A_134 : vector<16xi32> to vector<16xi32>
      %get3A_136 = arith.index_cast %add3A_132 : i32 to index
      %get3A_137 = tpu.vector_load %arg7[%get3A_136] {strides = array<i32>} : memref<4096xi32, #tpu.memory_space<vmem>>, vector<16xi32>,
      %get3A_138 = vector.shape_cast %get3A_137 : vector<16xi32> to vector<16xi32>
      %mul3A_139 = arith.constant 4096 : i32
      %mul3A_140 = vector.broadcast %mul3A_139 : i32 to vector<16xi32>
      %mul3A_141 = arith.muli %get3A_135, %mul3A_140 : vector<16xi32>
      %add3A_142 = arith.addi %mul3A_141, %get3A_138 : vector<16xi32>
      %swap3A_143 = arith.index_cast %add3A_132 : i32 to index
      %swap3A_144 = tpu.vector_load %arg8[%swap3A_143] {strides = array<i32>} : memref<4096xi32, #tpu.memory_space<vmem>>, vector<16xi32>,
      %swap3A_145 = vector.shape_cast %swap3A_144 : vector<16xi32> to vector<16xi32>
      %swap3A_146 = vector.shape_cast %add3A_142 : vector<16xi32> to vector<16xi32>
      tpu.vector_store %arg8[%swap3A_143], %swap3A_146 {strides = array<i32>} : memref<4096xi32, #tpu.memory_space<vmem>>, vector<16xi32>,
      %mul3A_147 = arith.constant 128 : i32
      %mul3A_148 = arith.muli %scan3A_22, %mul3A_147 : i32
      %add3A_149 = arith.constant 112 : i32
      %add3A_150 = arith.addi %mul3A_148, %add3A_149 : i32
      %get3A_151 = arith.index_cast %add3A_150 : i32 to index
      %get3A_152 = tpu.vector_load %arg6[%get3A_151] {strides = array<i32>} : memref<4096xi32, #tpu.memory_space<vmem>>, vector<16xi32>,
      %get3A_153 = vector.shape_cast %get3A_152 : vector<16xi32> to vector<16xi32>
      %get3A_154 = arith.index_cast %add3A_150 : i32 to index
      %get3A_155 = tpu.vector_load %arg7[%get3A_154] {strides = array<i32>} : memref<4096xi32, #tpu.memory_space<vmem>>, vector<16xi32>,
      %get3A_156 = vector.shape_cast %get3A_155 : vector<16xi32> to vector<16xi32>
      %mul3A_157 = arith.constant 4096 : i32
      %mul3A_158 = vector.broadcast %mul3A_157 : i32 to vector<16xi32>
      %mul3A_159 = arith.muli %get3A_153, %mul3A_158 : vector<16xi32>
      %add3A_160 = arith.addi %mul3A_159, %get3A_156 : vector<16xi32>
      %swap3A_161 = arith.index_cast %add3A_150 : i32 to index
      %swap3A_162 = tpu.vector_load %arg8[%swap3A_161] {strides = array<i32>} : memref<4096xi32, #tpu.memory_space<vmem>>, vector<16xi32>,
      %swap3A_163 = vector.shape_cast %swap3A_162 : vector<16xi32> to vector<16xi32>
      %swap3A_164 = vector.shape_cast %add3A_160 : vector<16xi32> to vector<16xi32>
      tpu.vector_store %arg8[%swap3A_161], %swap3A_164 {strides = array<i32>} : memref<4096xi32, #tpu.memory_space<vmem>>, vector<16xi32>,
    }
    %scan3A_17 = arith.constant 32 : i32
    %dma_start3A_18 = arith.constant 0 : i32
    %dma_start3A_19 = tpu.memref_slice %arg4[%dma_start3A_18] : memref<16777216xf32, #tpu.memory_space<hbm>> -> memref<16777216xf32, #tpu.memory_space<hbm>>
    tpu.enqueue_indirect_dma source(%arg9 : memref<4096xf32, #tpu.memory_space<vmem>>) target(%dma_start3A_19 : memref<16777216xf32, #tpu.memory_space<hbm>>) offsets(%arg8 : memref<4096xi32, #tpu.memory_space<vmem>>) semaphore(%arg10 : memref<!tpu.dma_semaphore, #tpu.memory_space<semaphore_mem>>)
    %dma_wait3A_20 = arith.constant 0 : i32
    %dma_wait3A_21 = tpu.memref_slice %arg4[%dma_wait3A_20] : memref<16777216xf32, #tpu.memory_space<hbm>> -> memref<16777216xf32, #tpu.memory_space<hbm>>
    tpu.wait_indirect_dma semaphore(%arg10 : memref<!tpu.dma_semaphore, #tpu.memory_space<semaphore_mem>>) src(%arg9 : memref<4096xf32, #tpu.memory_space<vmem>>) dst(%dma_wait3A_21 : memref<16777216xf32, #tpu.memory_space<hbm>>)
    return
  }
}

module attributes {stable_mosaic.version = 14 : i64} {
  func.func @_attn_body(%arg0: i32, %arg1: memref<256x512xf32, #tpu.memory_space<vmem>>, %arg2: memref<512x512xf32, #tpu.memory_space<vmem>>, %arg3: memref<1x512xf32, #tpu.memory_space<vmem>>, %arg4: memref<4096x512xbf16, #tpu.memory_space<vmem>>, %arg5: memref<4096x512xbf16, #tpu.memory_space<vmem>>, %arg6: memref<256x4096xf32, #tpu.memory_space<vmem>>, %arg7: memref<512x512xf32, #tpu.memory_space<vmem>>, %arg8: memref<1x512xf32, #tpu.memory_space<vmem>>, %arg9: memref<256x512xf32, #tpu.memory_space<vmem>>) attributes {dimension_semantics = [#tpu.dimension_semantics<arbitrary>], iteration_bounds = array<i64: 16>, scalar_prefetch = 0 : i64, scratch_operands = 0 : i64, tpu.core_type = #tpu.core_type<tc>, window_params = [{transform_indices = @transform_0, window_bounds = array<i64: 256, 512>}, {pipeline_mode = #tpu.pipeline_mode<synchronous>, transform_indices = @transform_1, window_bounds = array<i64: 512, 512>}, {pipeline_mode = #tpu.pipeline_mode<synchronous>, transform_indices = @transform_2, window_bounds = array<i64: 1, 512>}, {pipeline_mode = #tpu.pipeline_mode<synchronous>, transform_indices = @transform_3, window_bounds = array<i64: 4096, 512>}, {pipeline_mode = #tpu.pipeline_mode<synchronous>, transform_indices = @transform_4, window_bounds = array<i64: 4096, 512>}, {transform_indices = @transform_5, window_bounds = array<i64: 256, 4096>}, {pipeline_mode = #tpu.pipeline_mode<synchronous>, transform_indices = @transform_6, window_bounds = array<i64: 512, 512>}, {pipeline_mode = #tpu.pipeline_mode<synchronous>, transform_indices = @transform_7, window_bounds = array<i64: 1, 512>}, {transform_indices = @transform_8, window_bounds = array<i64: 256, 512>}]} {
    %get3A = arith.constant 0 : index
    %get3A_0 = arith.constant 0 : index
    %get3A_1 = vector.load %arg1[%get3A, %get3A_0] : memref<256x512xf32, #tpu.memory_space<vmem>>, vector<256x512xf32>
    %convert_element_type3A = arith.truncf %get3A_1 : vector<256x512xf32> to vector<256x512xbf16>
    %get3A_2 = arith.constant 0 : index
    %get3A_3 = arith.constant 0 : index
    %get3A_4 = vector.load %arg2[%get3A_2, %get3A_3] : memref<512x512xf32, #tpu.memory_space<vmem>>, vector<512x512xf32>
    %convert_element_type3A_5 = arith.truncf %get3A_4 : vector<512x512xf32> to vector<512x512xbf16>
    %dot_general3A = arith.constant dense<0.000000e+00> : vector<256x512xf32>
    %dot_general3A_6 = tpu.matmul %convert_element_type3A, %convert_element_type3A_5, %dot_general3A {dimension_numbers = #tpu.dot_dimension_numbers<[1], [1], [0], [0], [0, 0, 1, 0], [], []>, transpose_lhs_hint = false} : vector<256x512xbf16>, vector<512x512xbf16>, vector<256x512xf32> -> vector<256x512xf32>
    %get3A_7 = arith.constant 0 : index
    %get3A_8 = arith.constant 0 : index
    %get3A_9 = vector.load %arg3[%get3A_7, %get3A_8] : memref<1x512xf32, #tpu.memory_space<vmem>>, vector<1x512xf32>
    %add3A = vector.broadcast %get3A_9 : vector<1x512xf32> to vector<256x512xf32>
    %add3A_10 = arith.addf %dot_general3A_6, %add3A : vector<256x512xf32>
    %mul3A = arith.constant 0.0883883461 : f32
    %mul3A_11 = vector.broadcast %mul3A : f32 to vector<256x512xf32>
    %mul3A_12 = arith.mulf %add3A_10, %mul3A_11 : vector<256x512xf32>
    %get3A_13 = arith.constant 0 : index
    %get3A_14 = arith.constant 0 : index
    %get3A_15 = vector.load %arg6[%get3A_13, %get3A_14] : memref<256x4096xf32, #tpu.memory_space<vmem>>, vector<256x4096xf32>
    %slice3A = vector.extract_strided_slice %mul3A_12 {offsets = [0, 0], sizes = [256, 128], strides = [1, 1]} : vector<256x512xf32> to vector<256x128xf32>
    %convert_element_type3A_16 = arith.truncf %slice3A : vector<256x128xf32> to vector<256x128xbf16>
    %get3A_17 = arith.constant 0 : index
    %get3A_18 = arith.constant 0 : index
    %get3A_19 = vector.load %arg4[%get3A_17, %get3A_18] : memref<4096x512xbf16, #tpu.memory_space<vmem>>, vector<4096x128xbf16>
    %dot_general3A_20 = arith.constant dense<0.000000e+00> : vector<256x4096xf32>
    %dot_general3A_21 = tpu.matmul %convert_element_type3A_16, %get3A_19, %dot_general3A_20 {dimension_numbers = #tpu.dot_dimension_numbers<[1], [1], [0], [0], [0, 0, 1, 0], [], []>, transpose_lhs_hint = false} : vector<256x128xbf16>, vector<4096x128xbf16>, vector<256x4096xf32> -> vector<256x4096xf32>
    %add3A_22 = arith.addf %dot_general3A_21, %get3A_15 : vector<256x4096xf32>
    %reduce_max3A = arith.constant dense<0xFF800000> : vector<256xf32>
    %reduce_max3A_23 = vector.multi_reduction <maximumf>, %add3A_22, %reduce_max3A [1] : vector<256x4096xf32> to vector<256xf32>
    %broadcast_in_dim3A = vector.shape_cast %reduce_max3A_23 : vector<256xf32> to vector<256x1xf32>
    %gt3A = arith.constant -5.000000e+29 : f32
    %gt3A_24 = vector.broadcast %gt3A : f32 to vector<256x1xf32>
    %gt3A_25 = arith.cmpf ogt, %broadcast_in_dim3A, %gt3A_24 : vector<256x1xf32>
    %sub3A = vector.broadcast %broadcast_in_dim3A : vector<256x1xf32> to vector<256x4096xf32>
    %sub3A_26 = arith.subf %add3A_22, %sub3A : vector<256x4096xf32>
    %exp3A = math.exp %sub3A_26 : vector<256x4096xf32>
    %reduce_sum3A = arith.constant dense<0.000000e+00> : vector<256xf32>
    %reduce_sum3A_27 = vector.multi_reduction <add>, %exp3A, %reduce_sum3A [1] : vector<256x4096xf32> to vector<256xf32>
    %broadcast_in_dim3A_28 = vector.shape_cast %reduce_sum3A_27 : vector<256xf32> to vector<256x1xf32>
    %convert_element_type3A_29 = arith.truncf %exp3A : vector<256x4096xf32> to vector<256x4096xbf16>
    %get3A_30 = arith.constant 0 : index
    %get3A_31 = arith.constant 0 : index
    %get3A_32 = vector.load %arg5[%get3A_30, %get3A_31] : memref<4096x512xbf16, #tpu.memory_space<vmem>>, vector<4096x128xbf16>
    %dot_general3A_33 = arith.constant dense<0.000000e+00> : vector<256x128xf32>
    %dot_general3A_34 = tpu.matmul %convert_element_type3A_29, %get3A_32, %dot_general3A_33 {dimension_numbers = #tpu.dot_dimension_numbers<[1], [0], [0], [1], [0, 0, 1, 1], [], []>, transpose_lhs_hint = false} : vector<256x4096xbf16>, vector<4096x128xbf16>, vector<256x128xf32> -> vector<256x128xf32>
    %max3A = arith.constant 1.000000e-30 : f32
    %max3A_35 = vector.broadcast %max3A : f32 to vector<256x1xf32>
    %max3A_36 = arith.maximumf %broadcast_in_dim3A_28, %max3A_35 : vector<256x1xf32>
    %div3A = vector.broadcast %max3A_36 : vector<256x1xf32> to vector<256x128xf32>
    %div3A_37 = arith.divf %dot_general3A_34, %div3A : vector<256x128xf32>
    %jit3A = arith.constant 0.000000e+00 : f32
    %broadcast_in_dim3A_38 = vector.shape_cast %gt3A_25 : vector<256x1xi1> to vector<256x1xi1>
    %broadcast_in_dim3A_39 = vector.broadcast %broadcast_in_dim3A_38 : vector<256x1xi1> to vector<256x128xi1>
    %broadcast_in_dim3A_40 = vector.broadcast %jit3A : f32 to vector<256x128xf32>
    %select_n3A = arith.select %broadcast_in_dim3A_39, %div3A_37, %broadcast_in_dim3A_40 : vector<256x128xi1>, vector<256x128xf32>
    %slice3A_41 = vector.extract_strided_slice %mul3A_12 {offsets = [0, 128], sizes = [256, 128], strides = [1, 1]} : vector<256x512xf32> to vector<256x128xf32>
    %convert_element_type3A_42 = arith.truncf %slice3A_41 : vector<256x128xf32> to vector<256x128xbf16>
    %get3A_43 = arith.constant 0 : index
    %get3A_44 = arith.constant 128 : index
    %get3A_45 = vector.load %arg4[%get3A_43, %get3A_44] : memref<4096x512xbf16, #tpu.memory_space<vmem>>, vector<4096x128xbf16>
    %dot_general3A_46 = arith.constant dense<0.000000e+00> : vector<256x4096xf32>
    %dot_general3A_47 = tpu.matmul %convert_element_type3A_42, %get3A_45, %dot_general3A_46 {dimension_numbers = #tpu.dot_dimension_numbers<[1], [1], [0], [0], [0, 0, 1, 0], [], []>, transpose_lhs_hint = false} : vector<256x128xbf16>, vector<4096x128xbf16>, vector<256x4096xf32> -> vector<256x4096xf32>
    %add3A_48 = arith.addf %dot_general3A_47, %get3A_15 : vector<256x4096xf32>
    %reduce_max3A_49 = arith.constant dense<0xFF800000> : vector<256xf32>
    %reduce_max3A_50 = vector.multi_reduction <maximumf>, %add3A_48, %reduce_max3A_49 [1] : vector<256x4096xf32> to vector<256xf32>
    %broadcast_in_dim3A_51 = vector.shape_cast %reduce_max3A_50 : vector<256xf32> to vector<256x1xf32>
    %gt3A_52 = arith.constant -5.000000e+29 : f32
    %gt3A_53 = vector.broadcast %gt3A_52 : f32 to vector<256x1xf32>
    %gt3A_54 = arith.cmpf ogt, %broadcast_in_dim3A_51, %gt3A_53 : vector<256x1xf32>
    %sub3A_55 = vector.broadcast %broadcast_in_dim3A_51 : vector<256x1xf32> to vector<256x4096xf32>
    %sub3A_56 = arith.subf %add3A_48, %sub3A_55 : vector<256x4096xf32>
    %exp3A_57 = math.exp %sub3A_56 : vector<256x4096xf32>
    %reduce_sum3A_58 = arith.constant dense<0.000000e+00> : vector<256xf32>
    %reduce_sum3A_59 = vector.multi_reduction <add>, %exp3A_57, %reduce_sum3A_58 [1] : vector<256x4096xf32> to vector<256xf32>
    %broadcast_in_dim3A_60 = vector.shape_cast %reduce_sum3A_59 : vector<256xf32> to vector<256x1xf32>
    %convert_element_type3A_61 = arith.truncf %exp3A_57 : vector<256x4096xf32> to vector<256x4096xbf16>
    %get3A_62 = arith.constant 0 : index
    %get3A_63 = arith.constant 128 : index
    %get3A_64 = vector.load %arg5[%get3A_62, %get3A_63] : memref<4096x512xbf16, #tpu.memory_space<vmem>>, vector<4096x128xbf16>
    %dot_general3A_65 = arith.constant dense<0.000000e+00> : vector<256x128xf32>
    %dot_general3A_66 = tpu.matmul %convert_element_type3A_61, %get3A_64, %dot_general3A_65 {dimension_numbers = #tpu.dot_dimension_numbers<[1], [0], [0], [1], [0, 0, 1, 1], [], []>, transpose_lhs_hint = false} : vector<256x4096xbf16>, vector<4096x128xbf16>, vector<256x128xf32> -> vector<256x128xf32>
    %max3A_67 = arith.constant 1.000000e-30 : f32
    %max3A_68 = vector.broadcast %max3A_67 : f32 to vector<256x1xf32>
    %max3A_69 = arith.maximumf %broadcast_in_dim3A_60, %max3A_68 : vector<256x1xf32>
    %div3A_70 = vector.broadcast %max3A_69 : vector<256x1xf32> to vector<256x128xf32>
    %div3A_71 = arith.divf %dot_general3A_66, %div3A_70 : vector<256x128xf32>
    %jit3A_72 = arith.constant 0.000000e+00 : f32
    %broadcast_in_dim3A_73 = vector.shape_cast %gt3A_54 : vector<256x1xi1> to vector<256x1xi1>
    %broadcast_in_dim3A_74 = vector.broadcast %broadcast_in_dim3A_73 : vector<256x1xi1> to vector<256x128xi1>
    %broadcast_in_dim3A_75 = vector.broadcast %jit3A_72 : f32 to vector<256x128xf32>
    %select_n3A_76 = arith.select %broadcast_in_dim3A_74, %div3A_71, %broadcast_in_dim3A_75 : vector<256x128xi1>, vector<256x128xf32>
    %slice3A_77 = vector.extract_strided_slice %mul3A_12 {offsets = [0, 256], sizes = [256, 128], strides = [1, 1]} : vector<256x512xf32> to vector<256x128xf32>
    %convert_element_type3A_78 = arith.truncf %slice3A_77 : vector<256x128xf32> to vector<256x128xbf16>
    %get3A_79 = arith.constant 0 : index
    %get3A_80 = arith.constant 256 : index
    %get3A_81 = vector.load %arg4[%get3A_79, %get3A_80] : memref<4096x512xbf16, #tpu.memory_space<vmem>>, vector<4096x128xbf16>
    %dot_general3A_82 = arith.constant dense<0.000000e+00> : vector<256x4096xf32>
    %dot_general3A_83 = tpu.matmul %convert_element_type3A_78, %get3A_81, %dot_general3A_82 {dimension_numbers = #tpu.dot_dimension_numbers<[1], [1], [0], [0], [0, 0, 1, 0], [], []>, transpose_lhs_hint = false} : vector<256x128xbf16>, vector<4096x128xbf16>, vector<256x4096xf32> -> vector<256x4096xf32>
    %add3A_84 = arith.addf %dot_general3A_83, %get3A_15 : vector<256x4096xf32>
    %reduce_max3A_85 = arith.constant dense<0xFF800000> : vector<256xf32>
    %reduce_max3A_86 = vector.multi_reduction <maximumf>, %add3A_84, %reduce_max3A_85 [1] : vector<256x4096xf32> to vector<256xf32>
    %broadcast_in_dim3A_87 = vector.shape_cast %reduce_max3A_86 : vector<256xf32> to vector<256x1xf32>
    %gt3A_88 = arith.constant -5.000000e+29 : f32
    %gt3A_89 = vector.broadcast %gt3A_88 : f32 to vector<256x1xf32>
    %gt3A_90 = arith.cmpf ogt, %broadcast_in_dim3A_87, %gt3A_89 : vector<256x1xf32>
    %sub3A_91 = vector.broadcast %broadcast_in_dim3A_87 : vector<256x1xf32> to vector<256x4096xf32>
    %sub3A_92 = arith.subf %add3A_84, %sub3A_91 : vector<256x4096xf32>
    %exp3A_93 = math.exp %sub3A_92 : vector<256x4096xf32>
    %reduce_sum3A_94 = arith.constant dense<0.000000e+00> : vector<256xf32>
    %reduce_sum3A_95 = vector.multi_reduction <add>, %exp3A_93, %reduce_sum3A_94 [1] : vector<256x4096xf32> to vector<256xf32>
    %broadcast_in_dim3A_96 = vector.shape_cast %reduce_sum3A_95 : vector<256xf32> to vector<256x1xf32>
    %convert_element_type3A_97 = arith.truncf %exp3A_93 : vector<256x4096xf32> to vector<256x4096xbf16>
    %get3A_98 = arith.constant 0 : index
    %get3A_99 = arith.constant 256 : index
    %get3A_100 = vector.load %arg5[%get3A_98, %get3A_99] : memref<4096x512xbf16, #tpu.memory_space<vmem>>, vector<4096x128xbf16>
    %dot_general3A_101 = arith.constant dense<0.000000e+00> : vector<256x128xf32>
    %dot_general3A_102 = tpu.matmul %convert_element_type3A_97, %get3A_100, %dot_general3A_101 {dimension_numbers = #tpu.dot_dimension_numbers<[1], [0], [0], [1], [0, 0, 1, 1], [], []>, transpose_lhs_hint = false} : vector<256x4096xbf16>, vector<4096x128xbf16>, vector<256x128xf32> -> vector<256x128xf32>
    %max3A_103 = arith.constant 1.000000e-30 : f32
    %max3A_104 = vector.broadcast %max3A_103 : f32 to vector<256x1xf32>
    %max3A_105 = arith.maximumf %broadcast_in_dim3A_96, %max3A_104 : vector<256x1xf32>
    %div3A_106 = vector.broadcast %max3A_105 : vector<256x1xf32> to vector<256x128xf32>
    %div3A_107 = arith.divf %dot_general3A_102, %div3A_106 : vector<256x128xf32>
    %jit3A_108 = arith.constant 0.000000e+00 : f32
    %broadcast_in_dim3A_109 = vector.shape_cast %gt3A_90 : vector<256x1xi1> to vector<256x1xi1>
    %broadcast_in_dim3A_110 = vector.broadcast %broadcast_in_dim3A_109 : vector<256x1xi1> to vector<256x128xi1>
    %broadcast_in_dim3A_111 = vector.broadcast %jit3A_108 : f32 to vector<256x128xf32>
    %select_n3A_112 = arith.select %broadcast_in_dim3A_110, %div3A_107, %broadcast_in_dim3A_111 : vector<256x128xi1>, vector<256x128xf32>
    %slice3A_113 = vector.extract_strided_slice %mul3A_12 {offsets = [0, 384], sizes = [256, 128], strides = [1, 1]} : vector<256x512xf32> to vector<256x128xf32>
    %convert_element_type3A_114 = arith.truncf %slice3A_113 : vector<256x128xf32> to vector<256x128xbf16>
    %get3A_115 = arith.constant 0 : index
    %get3A_116 = arith.constant 384 : index
    %get3A_117 = vector.load %arg4[%get3A_115, %get3A_116] : memref<4096x512xbf16, #tpu.memory_space<vmem>>, vector<4096x128xbf16>
    %dot_general3A_118 = arith.constant dense<0.000000e+00> : vector<256x4096xf32>
    %dot_general3A_119 = tpu.matmul %convert_element_type3A_114, %get3A_117, %dot_general3A_118 {dimension_numbers = #tpu.dot_dimension_numbers<[1], [1], [0], [0], [0, 0, 1, 0], [], []>, transpose_lhs_hint = false} : vector<256x128xbf16>, vector<4096x128xbf16>, vector<256x4096xf32> -> vector<256x4096xf32>
    %add3A_120 = arith.addf %dot_general3A_119, %get3A_15 : vector<256x4096xf32>
    %reduce_max3A_121 = arith.constant dense<0xFF800000> : vector<256xf32>
    %reduce_max3A_122 = vector.multi_reduction <maximumf>, %add3A_120, %reduce_max3A_121 [1] : vector<256x4096xf32> to vector<256xf32>
    %broadcast_in_dim3A_123 = vector.shape_cast %reduce_max3A_122 : vector<256xf32> to vector<256x1xf32>
    %gt3A_124 = arith.constant -5.000000e+29 : f32
    %gt3A_125 = vector.broadcast %gt3A_124 : f32 to vector<256x1xf32>
    %gt3A_126 = arith.cmpf ogt, %broadcast_in_dim3A_123, %gt3A_125 : vector<256x1xf32>
    %sub3A_127 = vector.broadcast %broadcast_in_dim3A_123 : vector<256x1xf32> to vector<256x4096xf32>
    %sub3A_128 = arith.subf %add3A_120, %sub3A_127 : vector<256x4096xf32>
    %exp3A_129 = math.exp %sub3A_128 : vector<256x4096xf32>
    %reduce_sum3A_130 = arith.constant dense<0.000000e+00> : vector<256xf32>
    %reduce_sum3A_131 = vector.multi_reduction <add>, %exp3A_129, %reduce_sum3A_130 [1] : vector<256x4096xf32> to vector<256xf32>
    %broadcast_in_dim3A_132 = vector.shape_cast %reduce_sum3A_131 : vector<256xf32> to vector<256x1xf32>
    %convert_element_type3A_133 = arith.truncf %exp3A_129 : vector<256x4096xf32> to vector<256x4096xbf16>
    %get3A_134 = arith.constant 0 : index
    %get3A_135 = arith.constant 384 : index
    %get3A_136 = vector.load %arg5[%get3A_134, %get3A_135] : memref<4096x512xbf16, #tpu.memory_space<vmem>>, vector<4096x128xbf16>
    %dot_general3A_137 = arith.constant dense<0.000000e+00> : vector<256x128xf32>
    %dot_general3A_138 = tpu.matmul %convert_element_type3A_133, %get3A_136, %dot_general3A_137 {dimension_numbers = #tpu.dot_dimension_numbers<[1], [0], [0], [1], [0, 0, 1, 1], [], []>, transpose_lhs_hint = false} : vector<256x4096xbf16>, vector<4096x128xbf16>, vector<256x128xf32> -> vector<256x128xf32>
    %max3A_139 = arith.constant 1.000000e-30 : f32
    %max3A_140 = vector.broadcast %max3A_139 : f32 to vector<256x1xf32>
    %max3A_141 = arith.maximumf %broadcast_in_dim3A_132, %max3A_140 : vector<256x1xf32>
    %div3A_142 = vector.broadcast %max3A_141 : vector<256x1xf32> to vector<256x128xf32>
    %div3A_143 = arith.divf %dot_general3A_138, %div3A_142 : vector<256x128xf32>
    %jit3A_144 = arith.constant 0.000000e+00 : f32
    %broadcast_in_dim3A_145 = vector.shape_cast %gt3A_126 : vector<256x1xi1> to vector<256x1xi1>
    %broadcast_in_dim3A_146 = vector.broadcast %broadcast_in_dim3A_145 : vector<256x1xi1> to vector<256x128xi1>
    %broadcast_in_dim3A_147 = vector.broadcast %jit3A_144 : f32 to vector<256x128xf32>
    %select_n3A_148 = arith.select %broadcast_in_dim3A_146, %div3A_143, %broadcast_in_dim3A_147 : vector<256x128xi1>, vector<256x128xf32>
    %concatenate3A = tpu.concatenate %select_n3A, %select_n3A_76, %select_n3A_112, %select_n3A_148 in 1 : vector<256x128xf32>, vector<256x128xf32>, vector<256x128xf32>, vector<256x128xf32> -> vector<256x512xf32>
    %get3A_149 = arith.constant 0 : index
    %get3A_150 = arith.constant 0 : index
    %get3A_151 = vector.load %arg7[%get3A_149, %get3A_150] : memref<512x512xf32, #tpu.memory_space<vmem>>, vector<512x512xf32>
    %dot_general3A_152 = arith.constant dense<0.000000e+00> : vector<256x512xf32>
    %dot_general3A_153 = tpu.matmul %concatenate3A, %get3A_151, %dot_general3A_152 {dimension_numbers = #tpu.dot_dimension_numbers<[1], [1], [0], [0], [0, 0, 1, 0], [], []>, transpose_lhs_hint = false} : vector<256x512xf32>, vector<512x512xf32>, vector<256x512xf32> -> vector<256x512xf32>
    %get3A_154 = arith.constant 0 : index
    %get3A_155 = arith.constant 0 : index
    %get3A_156 = vector.load %arg8[%get3A_154, %get3A_155] : memref<1x512xf32, #tpu.memory_space<vmem>>, vector<1x512xf32>
    %add3A_157 = vector.broadcast %get3A_156 : vector<1x512xf32> to vector<256x512xf32>
    %add3A_158 = arith.addf %dot_general3A_153, %add3A_157 : vector<256x512xf32>
    %swap3A = arith.constant 0 : index
    %swap3A_159 = arith.constant 0 : index
    %swap3A_160 = vector.load %arg9[%swap3A, %swap3A_159] : memref<256x512xf32, #tpu.memory_space<vmem>>, vector<256x512xf32>
    tpu.vector_store %arg9[%swap3A, %swap3A_159], %add3A_158 {strides = array<i32>} : memref<256x512xf32, #tpu.memory_space<vmem>>, vector<256x512xf32>,
    return
  }
  func.func @transform_0(%arg0: i32) -> (i32, i32) {
    %c0_i32 = arith.constant 0 : i32
    %c0_i32_0 = arith.constant 0 : i32
    return %arg0, %c0_i32 : i32, i32
  }
  func.func @transform_1(%arg0: i32) -> (i32, i32) {
    %c0_i32 = arith.constant 0 : i32
    %c0_i32_0 = arith.constant 0 : i32
    %c0_i32_1 = arith.constant 0 : i32
    return %c0_i32, %c0_i32_0 : i32, i32
  }
  func.func @transform_2(%arg0: i32) -> (i32, i32) {
    %c0_i32 = arith.constant 0 : i32
    %c0_i32_0 = arith.constant 0 : i32
    %c0_i32_1 = arith.constant 0 : i32
    return %c0_i32, %c0_i32_0 : i32, i32
  }
  func.func @transform_3(%arg0: i32) -> (i32, i32) {
    %c0_i32 = arith.constant 0 : i32
    %c0_i32_0 = arith.constant 0 : i32
    %c0_i32_1 = arith.constant 0 : i32
    return %c0_i32, %c0_i32_0 : i32, i32
  }
  func.func @transform_4(%arg0: i32) -> (i32, i32) {
    %c0_i32 = arith.constant 0 : i32
    %c0_i32_0 = arith.constant 0 : i32
    %c0_i32_1 = arith.constant 0 : i32
    return %c0_i32, %c0_i32_0 : i32, i32
  }
  func.func @transform_5(%arg0: i32) -> (i32, i32) {
    %c0_i32 = arith.constant 0 : i32
    %c0_i32_0 = arith.constant 0 : i32
    return %arg0, %c0_i32 : i32, i32
  }
  func.func @transform_6(%arg0: i32) -> (i32, i32) {
    %c0_i32 = arith.constant 0 : i32
    %c0_i32_0 = arith.constant 0 : i32
    %c0_i32_1 = arith.constant 0 : i32
    return %c0_i32, %c0_i32_0 : i32, i32
  }
  func.func @transform_7(%arg0: i32) -> (i32, i32) {
    %c0_i32 = arith.constant 0 : i32
    %c0_i32_0 = arith.constant 0 : i32
    %c0_i32_1 = arith.constant 0 : i32
    return %c0_i32, %c0_i32_0 : i32, i32
  }
  func.func @transform_8(%arg0: i32) -> (i32, i32) {
    %c0_i32 = arith.constant 0 : i32
    %c0_i32_0 = arith.constant 0 : i32
    return %arg0, %c0_i32 : i32, i32
  }
}

module attributes {stable_mosaic.version = 14 : i64} {
  func.func @_kv_proj_body(%arg0: i32, %arg1: memref<256x512xf32, #tpu.memory_space<vmem>>, %arg2: memref<512x512xf32, #tpu.memory_space<vmem>>, %arg3: memref<1x512xf32, #tpu.memory_space<vmem>>, %arg4: memref<512x512xf32, #tpu.memory_space<vmem>>, %arg5: memref<1x512xf32, #tpu.memory_space<vmem>>, %arg6: memref<256x512xbf16, #tpu.memory_space<vmem>>, %arg7: memref<256x512xbf16, #tpu.memory_space<vmem>>) attributes {dimension_semantics = [#tpu.dimension_semantics<arbitrary>], iteration_bounds = array<i64: 16>, scalar_prefetch = 0 : i64, scratch_operands = 0 : i64, tpu.core_type = #tpu.core_type<tc>, window_params = [{transform_indices = @transform_0, window_bounds = array<i64: 256, 512>}, {pipeline_mode = #tpu.pipeline_mode<synchronous>, transform_indices = @transform_1, window_bounds = array<i64: 512, 512>}, {pipeline_mode = #tpu.pipeline_mode<synchronous>, transform_indices = @transform_2, window_bounds = array<i64: 1, 512>}, {pipeline_mode = #tpu.pipeline_mode<synchronous>, transform_indices = @transform_3, window_bounds = array<i64: 512, 512>}, {pipeline_mode = #tpu.pipeline_mode<synchronous>, transform_indices = @transform_4, window_bounds = array<i64: 1, 512>}, {transform_indices = @transform_5, window_bounds = array<i64: 256, 512>}, {transform_indices = @transform_6, window_bounds = array<i64: 256, 512>}]} {
    %get3A = arith.constant 0 : index
    %get3A_0 = arith.constant 0 : index
    %get3A_1 = vector.load %arg1[%get3A, %get3A_0] : memref<256x512xf32, #tpu.memory_space<vmem>>, vector<256x512xf32>
    %get3A_2 = arith.constant 0 : index
    %get3A_3 = arith.constant 0 : index
    %get3A_4 = vector.load %arg2[%get3A_2, %get3A_3] : memref<512x512xf32, #tpu.memory_space<vmem>>, vector<512x512xf32>
    %dot_general3A = arith.constant dense<0.000000e+00> : vector<256x512xf32>
    %dot_general3A_5 = tpu.matmul %get3A_1, %get3A_4, %dot_general3A {dimension_numbers = #tpu.dot_dimension_numbers<[1], [1], [0], [0], [0, 0, 1, 0], [], []>, transpose_lhs_hint = false} : vector<256x512xf32>, vector<512x512xf32>, vector<256x512xf32> -> vector<256x512xf32>
    %get3A_6 = arith.constant 0 : index
    %get3A_7 = arith.constant 0 : index
    %get3A_8 = vector.load %arg3[%get3A_6, %get3A_7] : memref<1x512xf32, #tpu.memory_space<vmem>>, vector<1x512xf32>
    %add3A = vector.broadcast %get3A_8 : vector<1x512xf32> to vector<256x512xf32>
    %add3A_9 = arith.addf %dot_general3A_5, %add3A : vector<256x512xf32>
    %get3A_10 = arith.constant 0 : index
    %get3A_11 = arith.constant 0 : index
    %get3A_12 = vector.load %arg4[%get3A_10, %get3A_11] : memref<512x512xf32, #tpu.memory_space<vmem>>, vector<512x512xf32>
    %dot_general3A_13 = arith.constant dense<0.000000e+00> : vector<256x512xf32>
    %dot_general3A_14 = tpu.matmul %get3A_1, %get3A_12, %dot_general3A_13 {dimension_numbers = #tpu.dot_dimension_numbers<[1], [1], [0], [0], [0, 0, 1, 0], [], []>, transpose_lhs_hint = false} : vector<256x512xf32>, vector<512x512xf32>, vector<256x512xf32> -> vector<256x512xf32>
    %get3A_15 = arith.constant 0 : index
    %get3A_16 = arith.constant 0 : index
    %get3A_17 = vector.load %arg5[%get3A_15, %get3A_16] : memref<1x512xf32, #tpu.memory_space<vmem>>, vector<1x512xf32>
    %add3A_18 = vector.broadcast %get3A_17 : vector<1x512xf32> to vector<256x512xf32>
    %add3A_19 = arith.addf %dot_general3A_14, %add3A_18 : vector<256x512xf32>
    %convert_element_type3A = arith.truncf %add3A_9 : vector<256x512xf32> to vector<256x512xbf16>
    %swap3A = arith.constant 0 : index
    %swap3A_20 = arith.constant 0 : index
    %swap3A_21 = vector.load %arg6[%swap3A, %swap3A_20] : memref<256x512xbf16, #tpu.memory_space<vmem>>, vector<256x512xbf16>
    tpu.vector_store %arg6[%swap3A, %swap3A_20], %convert_element_type3A {strides = array<i32>} : memref<256x512xbf16, #tpu.memory_space<vmem>>, vector<256x512xbf16>,
    %convert_element_type3A_22 = arith.truncf %add3A_19 : vector<256x512xf32> to vector<256x512xbf16>
    %swap3A_23 = arith.constant 0 : index
    %swap3A_24 = arith.constant 0 : index
    %swap3A_25 = vector.load %arg7[%swap3A_23, %swap3A_24] : memref<256x512xbf16, #tpu.memory_space<vmem>>, vector<256x512xbf16>
    tpu.vector_store %arg7[%swap3A_23, %swap3A_24], %convert_element_type3A_22 {strides = array<i32>} : memref<256x512xbf16, #tpu.memory_space<vmem>>, vector<256x512xbf16>,
    return
  }
  func.func @transform_0(%arg0: i32) -> (i32, i32) {
    %c0_i32 = arith.constant 0 : i32
    %c0_i32_0 = arith.constant 0 : i32
    return %arg0, %c0_i32 : i32, i32
  }
  func.func @transform_1(%arg0: i32) -> (i32, i32) {
    %c0_i32 = arith.constant 0 : i32
    %c0_i32_0 = arith.constant 0 : i32
    %c0_i32_1 = arith.constant 0 : i32
    return %c0_i32, %c0_i32_0 : i32, i32
  }
  func.func @transform_2(%arg0: i32) -> (i32, i32) {
    %c0_i32 = arith.constant 0 : i32
    %c0_i32_0 = arith.constant 0 : i32
    %c0_i32_1 = arith.constant 0 : i32
    return %c0_i32, %c0_i32_0 : i32, i32
  }
  func.func @transform_3(%arg0: i32) -> (i32, i32) {
    %c0_i32 = arith.constant 0 : i32
    %c0_i32_0 = arith.constant 0 : i32
    %c0_i32_1 = arith.constant 0 : i32
    return %c0_i32, %c0_i32_0 : i32, i32
  }
  func.func @transform_4(%arg0: i32) -> (i32, i32) {
    %c0_i32 = arith.constant 0 : i32
    %c0_i32_0 = arith.constant 0 : i32
    %c0_i32_1 = arith.constant 0 : i32
    return %c0_i32, %c0_i32_0 : i32, i32
  }
  func.func @transform_5(%arg0: i32) -> (i32, i32) {
    %c0_i32 = arith.constant 0 : i32
    %c0_i32_0 = arith.constant 0 : i32
    return %arg0, %c0_i32 : i32, i32
  }
  func.func @transform_6(%arg0: i32) -> (i32, i32) {
    %c0_i32 = arith.constant 0 : i32
    %c0_i32_0 = arith.constant 0 : i32
    return %arg0, %c0_i32 : i32, i32
  }
}

</mosaic_0001>

<sc_bundles>
// kernel: _run.5.cloned.1.call-start
scs
__scs_entry_jumppad:
0x0: {  	(pc) =	sbr.rel $0x88, $3  }
0x1: {  	(tag) =	ssettag $0x0;
	lr =	simm.s32 $0x1  }
0x2: {  	[smem:$0x3F97] =	sst lr;
	_ =	strace $0xD0000000  }
0x3: {  	_ = 	snop  }
0x4: {  	_ = 	snop  }
0x5: {  	_ = 	snop  }
0x6: {  	_ = 	snop  }
0x7: {  	_ = 	snop  }
__scs_overlays_trampoline_lowered:
0x8: {  	[smem:$0x3FA6] =	sst s0  }
0x9: {  	[smem:$0x3FA7] =	sst s1  }
0xa: {  	[smem:$0x3FA8] =	sst s2  }
0xb: {  	[smem:$0x3FA9] =	sst s3  }
0xc: {  	[smem:$0x3FAA] =	sst s4  }
0xd: {  	[smem:$0x3FAB] =	sst s5  }
0xe: {  	[smem:$0x3FAC] =	sst s6  }
0xf: {  	[smem:$0x3FAD] =	sst s7  }
0x10: {  	[smem:$0x3FAE] =	sst s8  }
0x11: {  	[smem:$0x3FAF] =	sst s9;
	s0 =	simm.s32 @!p0 $0x0  }
0x12: {  	s1 =	sld [smem:$0x3F95];
	s0 =	simm.s32 @p0 $0x1  }
0x13: {  	[smem:$0x3FB0] =	sst s0;
	s0 =	simm.s32 @!p1 $0x0  }
0x14: {  	s2 =	sld [smem:$0x3F94];
	s0 =	simm.s32 @p1 $0x1  }
0x15: {  	[smem:$0x3FB1] =	sst s0;
	s0 =	simm.s32 @!p2 $0x0  }
0x16: {  	s3 =	sld [smem:$0x3FDB];
	s0 =	simm.s32 @p2 $0x1  }
0x17: {  	s4 =	simm.s32 $0x1BF5;
	[smem:$0x3FB3] =	sst s0  }
0x18: {  	s0 =	sld [smem:$0x3F96];
	_ =	swait.ge [sflag:s4], $0x0  }
0x19: {  	s7 =	sld [smem:$0x3F97]  }
0x1a: {  	s8 =	sadd.s32 $0xFFFFE003, lr  }
0x1b: {  	s9 =	sadd.s32 $0xFFFFFEF7, lr;
	s5 =	simm.s32 $0xFFFFFFFF;
	p2 =	slt.u32 s8, $0xFFFFF086  }
0x1c: {  	p1 =	slt.u32 s9, $0xF7A;
	s5 =	simm.s32 @!p2 $0x0  }
0x1d: {  	s5 =	simm.s32 @p1 $0x1;
	p0 =	seq.s32 s7, s2  }
0x1e: {  	s7 =	smul.u32 @!p0 $0xF7A, s2;
	p2 =	seq.s32 @!p0 s5, $0x0  }
0x1f: {  	s9 =	smul.u32 $0xF7A, s1;
	s8 =	simm.s32 @!p0 $0x1BF5;
	p2 =	por !p2, p0  }
0x20: {  	[sflag:s8] =	ssyncset.s32 @!p0 $0xFFFFF086;
	s6 =	sadd.s32 @!p0 s3, s7;
	s7 =	simm.s32 @!p0 $0x108  }
0x21: {  	s3 =	sadd.s32 s3, s9;
	s6 =	sadd.s32 @!p0 $0x88, s6;
	s7 =	simm.s32 @p2 $0x1082  }
0x22: {  	[simem:s7], [sflag:s8] =	dma.local @!p0 [hbm:s6], $0xF7A  }
0x23: {  	s9 =	sor.u32 $0xD0000000, s2;
	s6 =	simm.s32 $0x108;
	_ =	swait.ge @!p0 [sflag:s8], $0x0  }
0x24: {  	s3 =	sadd.s32 $0x88, s3;
	s6 =	simm.s32 @!p1 $0x1082;
	[sflag:s4] =	ssyncset.s32 $0xFFFFF086  }
0x25: {  	[simem:s6], [sflag:s4] =	dma.local [hbm:s3], $0xF7A  }
0x26: {  	[smem:$0x3F97] =	sst s1;
	(tag) =	ssettag s2;
	_ =	strace s9  }
0x27: {  	s1 =	sld [smem:$0x3FA7]  }
0x28: {  	s2 =	sld [smem:$0x3FA8]  }
0x29: {  	s4 =	sld [smem:$0x3FAA]  }
0x2a: {  	p0 =	seq.s32 s5, $0x0;
	s5 =	sld [smem:$0x3FAB]  }
0x2b: {  	s6 =	sld [smem:$0x3FAC]  }
0x2c: {  	s7 =	sld [smem:$0x3FAD]  }
0x2d: {  	s3 =	simm.s32 $0x108;
	s8 =	sld [smem:$0x3FAE]  }
0x2e: {  	s3 =	simm.s32 @!p0 $0x1082;
	s9 =	sld [smem:$0x3FAF]  }
0x2f: {  	lr =	sadd.s32 s0, s3;
	s0 =	sld [smem:$0x3FA6]  }
0x30: {  	s3 =	sld [smem:$0x3FA9]  }
0x31: {  	[smem:$0x3FB2] =	sst s10  }
0x32: {  	s10 =	sld [smem:$0x3FB0];
	_ =	sdelay $0x3  }
0x33: {  	p0 =	seq.s32 s10, $0x1;
	s10 =	sld [smem:$0x3FB2];
	_ =	sdelay $0x3  }
0x34: {  	[smem:$0x3FB2] =	sst s10  }
0x35: {  	s10 =	sld [smem:$0x3FB1];
	_ =	sdelay $0x3  }
0x36: {  	p1 =	seq.s32 s10, $0x1;
	s10 =	sld [smem:$0x3FB2];
	_ =	sdelay $0x3  }
0x37: {  	[smem:$0x3FB2] =	sst s10  }
0x38: {  	s10 =	sld [smem:$0x3FB3]  }
0x39: {  	_ = 	snop;
	(pc) =	sbr.ind lr, $3  }
0x3a: {  	_ = 	snop  }
0x3b: {  	_ = 	snop  }
0x3c: {  	p2 =	seq.s32 s10, $0x1;
	s10 =	sld [smem:$0x3FB2]  }
0x3d: {  	_ =	shalt  }
0x3e: {  	_ =	shalt  }
0x3f: {  	_ =	shalt  }
0x40: {  	_ =	shalt  }
0x41: {  	_ =	shalt  }
0x42: {  	_ =	shalt  }
0x43: {  	_ =	shalt  }
0x44: {  	_ =	shalt  }
0x45: {  	_ =	shalt  }
0x46: {  	_ =	shalt  }
0x47: {  	_ =	shalt  }
0x48: {  	_ =	shalt  }
0x49: {  	_ =	shalt  }
0x4a: {  	_ =	shalt  }
0x4b: {  	_ =	shalt  }
0x4c: {  	_ =	shalt  }
0x4d: {  	_ =	shalt  }
0x4e: {  	_ =	shalt  }
0x4f: {  	_ =	shalt  }
0x50: {  	_ =	shalt  }
0x51: {  	_ =	shalt  }
0x52: {  	_ =	shalt  }
0x53: {  	_ =	shalt  }
0x54: {  	_ =	shalt  }
0x55: {  	_ =	shalt  }
0x56: {  	_ =	shalt  }
0x57: {  	_ =	shalt  }
0x58: {  	_ =	shalt  }
0x59: {  	_ =	shalt  }
0x5a: {  	_ =	shalt  }
0x5b: {  	_ =	shalt  }
0x5c: {  	_ =	shalt  }
0x5d: {  	_ =	shalt  }
0x5e: {  	_ =	shalt  }
0x5f: {  	_ =	shalt  }
0x60: {  	_ =	shalt  }
0x61: {  	_ =	shalt  }
0x62: {  	_ =	shalt  }
0x63: {  	_ =	shalt  }
0x64: {  	_ =	shalt  }
0x65: {  	_ =	shalt  }
0x66: {  	_ =	shalt  }
0x67: {  	_ =	shalt  }
0x68: {  	_ =	shalt  }
0x69: {  	_ =	shalt  }
0x6a: {  	_ =	shalt  }
0x6b: {  	_ =	shalt  }
0x6c: {  	_ =	shalt  }
0x6d: {  	_ =	shalt  }
0x6e: {  	_ =	shalt  }
0x6f: {  	_ =	shalt  }
0x70: {  	_ =	shalt  }
0x71: {  	_ =	shalt  }
0x72: {  	_ =	shalt  }
0x73: {  	_ =	shalt  }
0x74: {  	_ =	shalt  }
0x75: {  	_ =	shalt  }
0x76: {  	_ =	shalt  }
0x77: {  	_ =	shalt  }
0x78: {  	_ =	shalt  }
0x79: {  	_ =	shalt  }
0x7a: {  	_ =	shalt  }
0x7b: {  	_ =	shalt  }
0x7c: {  	_ =	shalt  }
0x7d: {  	_ =	shalt  }
0x7e: {  	_ =	shalt  }
0x7f: {  	_ =	shalt  }
0x80: {  	_ =	shalt  }
0x81: {  	_ =	shalt  }
0x82: {  	_ =	shalt  }
0x83: {  	_ =	shalt  }
0x84: {  	_ =	shalt  }
0x85: {  	_ =	shalt  }
0x86: {  	_ =	shalt  }
0x87: {  	_ =	shalt  }
.Lfunc_end0:
.L_simem_size_0:
called_computation_lowered:
.L_overlay_start_0:
0x88: {  	s2 =	sld [smem:$0x3FD9]  }
0x89: {  	s3 =	sld [smem:$0x3FFE];
	_ =	sdelay $0x1  }
0x8a: {  	s1 =	srdreg.scid  }
0x8b: {  	s0 =	sand.u32 $0x1, s1  }
0x8c: {  	s17 =	sshll.u32 s0, $0xA;
	s2 =	sadd.s32 s3, s2  }
0x8d: {  	s2 =	sadd.s32 s2, s17  }
0x8e: {  	[smem:$0x3FBE] =	sst s2  }
0x8f: {  	_ = 	snop  }
0x90: {  	s2 =	sld [smem:$0x3FD0];
	(tm) =	ssettm $0x1  }
0x91: {  	s18 =	sld [smem:$0x3FFB];
	_ =	sdelay $0x3  }
0x92: {  	_ =	strace s18  }
0x93: {  	s3 =	sld [smem:$0x3FFC];
	_ =	sdelay $0x3  }
0x94: {  	_ =	strace s3  }
0x95: {  	s3 =	sld [smem:$0x3FFD];
	_ =	sdelay $0x3  }
0x96: {  	_ =	strace s3  }
0x97: {  	_ =	strace $0x8FFFFFFF  }
0x98: {  	s19 =	sld [smem:$0x3FDB];
	_ =	sdelay $0x1  }
0x99: {  	s4 =	simm.s32 $_scs_section_size  }
0x9a: {  	s5 =	simm.s32 $_size__tile_overlayer_lowered;
	s6 =	simm.s32 $_tile_overlayer_lowered  }
0x9b: {  	s22 =	simm.s32 $0x1BFF;
	s21 =	sshll.u32 s6, $0x1;
	s3 =	sadd.s32 s4, s19  }
0x9c: {  	s7 =	simm.s32 $0x0;
	s20 =	sshll.u32 s5, $0x1;
	s5 =	sadd.s32 s21, s3  }
0x9d: {  	[timem:s7], [sflag:s22] =	dma.local [hbm:s5], s20  }
0x9e: {  	_ =	swait.ge [sflag:s22], s20  }
0x9f: {  	s4 =	ssub.s32 $0x0, s20;
	[sflag:s22] =	ssyncset.done $0x0  }
0xa0: {  	[sflag:s22] =	ssyncadd.s32 s4;
	_ =	sdelay $0x1  }
0xa1: {  	s23 =	simm.s32 $0x1B8B  }
0xa2: {  	_ =	swait.ge [sflag:s23], $0x1  }
0xa3: {  	[sflag:s23] =	ssyncset.done $0x0  }
0xa4: {  	s25 =	simm.s32 $0x1B8E;
	s24 =	sld [smem:$0x3FFE];
	[sflag:s23] =	ssyncadd.s32 $0xFFFFFFFF  }
0xa5: {  	s26 =	simm.s32 $execute0_lowered;
	[smem:$0x3FD2] =	sst s25  }
0xa6: {  	s5 =	sshll.u32 s26, $0x1;
	_ =	strace $0x80000046;
	[dreg:$0x1] =	wrdreg $0xFFFFFFFF  }
0xa7: {  	s28 =	simm.s32 $_size_execute0_lowered;
	s3 =	sadd.s32 s3, s5;
	[dreg:$0x0] =	wrdreg $0x0  }
0xa8: {  	s5 =	sshll.u32 s28, $0x1;
	[dreg:$0x2] =	wrdreg s3  }
0xa9: {  	[dreg:$0x3] =	wrdreg s5  }
0xaa: {  	[dreg:$0x4] =	wrdreg $0xC0  }
0xab: {  	_ =	task [dreg:s7], $0x5FFFF  }
0xac: {  	[dreg:$0x1] =	wrdreg $0xFFFFFFFF  }
0xad: {  	[dreg:$0x0] =	wrdreg $0x60  }
0xae: {  	[dreg:$0x2] =	wrdreg s2  }
0xaf: {  	[dreg:$0x3] =	wrdreg s24  }
0xb0: {  	[dreg:$0x4] =	wrdreg $0x9  }
0xb1: {  	_ =	task.clear_ibuf [dreg:s7], $0x5FFFF;
	_ =	strace $0x90000046  }
0xb2: {  	s29 =	simm.s32 $0x9;
	_ =	strace $0x80000048  }
0xb3: {  	_ =	swait.ge [sflag:s29], $0x1  }
0xb4: {  	[sflag:s29] =	ssyncadd.s32 $0xFFFFFFFF  }
0xb5: {  	_ =	strace $0x90000048  }
0xb6: {  	_ =	sfence  }
0xb7: {  	s30 =	sld [smem:$0x0];
	_ =	sdelay $0x2  }
0xb8: {  	s31 =	sshll.u32 s1, $0xD;
	s1 =	sshrl.u32 s1, $0x2  }
0xb9: {  	s3 =	sand.u32 $0x4000, s31;
	s1 =	sadd.s32 s1, s30  }
0xba: {  	s0 =	sor.u32 s3, s0;
	s1 =	sshll.u32 s1, $0x11  }
0xbb: {  	s0 =	sor.u32 s1, s0  }
0xbc: {  	s0 =	sadd.s32 $0x8F2B, s0  }
0xbd: {  	[sflag:s0] =	ssyncadd.remote.s32 $0x1  }
0xbe: {  	_ =	sfence.sel $0xFFFF  }
0xbf: {  	[dreg:$0x0] =	wrdreg $0xFFFFFFFF;
	(pc) =	sbr.abs _section_cstart, $3  }
0xc0: {  	[dreg:$0x1] =	wrdreg $0xFFFFFFFF  }
0xc1: {  	_ =	task.clear_ibuf [dreg:s7], $0x2FFFF;
	_ =	strace $0x9FFFFFFF  }
0xc2: {  	(tm) =	ssettm $0x7FFFFFFF  }
0xc3: {  	_ =	shalt  }
tec
execute0_lowered:
.L_overlay_start_1:
0x0: {  	(tag) =	ssettag $0x1  }
0x1: {  	s5 =	rddreg [dreg:$0x0]  }
0x2: {  	s4 =	rddreg [dreg:$0x1]  }
0x3: {  	s0 =	rddreg [dreg:$0x2]  }
0x4: {  	s2 =	simm.s32 $0x0;
	s3 =	srdreg.scid;
	s1 =	stileid.u32  }
0x5: {  	s10 =	simm.s32 $0x3;
	s11 =	simm.s32 $0x2;
	s12 =	simm.s32 $0x2000  }
0x6: {  	s13 =	simm.s32 $0x1;
	s14 =	simm.s32 $0x0;
	[smem:$0x7FF] =	sst s2  }
0x7: {  	s3 =	sand.u32 $0x1, s3;
	s7 =	sshll.u32 s1, $0xA;
	_ =	strace $0x80000047  }
0x8: {  	s6 =	ssub.s32 $0x2, s3;
	s8 =	sshll.u32 s3, $0x9;
	s3 =	sadd.s32 $0x1800, s4  }
0x9: {  	s4 =	sadd.s32 $0x1A00, s4;
	s9 =	sshrl.u32 s6, $0x1;
	s7 =	sor.u32 s8, s7  }
0xa: {  	s8 =	simm.s32 $0x1000;
	s31 =	ssub.s32 s6, s9;
	s5 =	sadd.s32 s5, s7  }
0xb: {  	s9 =	simm.s32 $0x3000;
	s6 =	sadd.s32 $0x4000, s5;
	s7 =	smax.u32 s31, $0x1  }
.LBB2_1:
0xc: {  	[tilespmem:s2], [sflag:$0x2] =	stream.linear.gather [hbm4b:s5+s2], $0x1000, $0x38;
	[tilespmem:$0x4000] =	vst v63  }
0xd: {  	_ = 	snop  }
0xe: {  	[tilespmem:s8], [sflag:$0x2] =	stream.linear.gather [hbm4b:s6+s2], $0x1000, $0x38;
	[tilespmem:$0x4000] =	vst v63  }
0xf: {  	_ = 	snop  }
0x10: {  	[tilespmem:s9], [sflag:$0x3] =	stream.linear.gather [hbm4b:s3+s2], $0x1000, $0x38;
	[tilespmem:$0x4000] =	vst v63  }
0x11: {  	_ =	swait.ge [sflag:s10], $0x1000  }
0x12: {  	[sflag:s10] =	ssyncset.done $0x0  }
0x13: {  	[sflag:s10] =	ssyncadd.s32 $0xFFFFF000  }
0x14: {  	_ =	swait.ge [sflag:s11], $0x1000  }
0x15: {  	[sflag:s11] =	ssyncset.done $0x0  }
0x16: {  	[sflag:s11] =	ssyncadd.s32 $0xFFFFF000  }
0x17: {  	_ =	swait.ge [sflag:s11], $0x1000  }
0x18: {  	[sflag:s11] =	ssyncset.done $0x0  }
0x19: {  	s15 =	simm.s32 $0x0;
	[sflag:s11] =	ssyncadd.s32 $0xFFFFF000  }
0x1a: {  	v0 =	vld [tilespmem:s15+$0x70]  }
0x1b: {  	v1 =	vld [tilespmem:s15+$0x1070]  }
0x1c: {  	v2 =	vld [tilespmem:s15+$0x0]  }
0x1d: {  	v3 =	vld [tilespmem:s15+$0x10]  }
0x1e: {  	v4 =	vld [tilespmem:s15+$0x20]  }
0x1f: {  	v6 =	vld [tilespmem:s15+$0x30]  }
0x20: {  	v9 =	vld [tilespmem:s15+$0x40]  }
0x21: {  	v8 =	vld [tilespmem:s15+$0x1000]  }
0x22: {  	v10 =	vld [tilespmem:s15+$0x1010];
	v0 =	vshll.u32 v0, $0xC  }
0x23: {  	v0 =	vadd.s32 v1, v0;
	v1 =	vld [tilespmem:s15+$0x50]  }
0x24: {  	[tilespmem:s15+$0x2070] =	vst v0;
	v0 =	vld [tilespmem:s15+$0x60]  }
0x25: {  	v7 =	vld [tilespmem:s15+$0x1020]  }
0x26: {  	v5 =	vld [tilespmem:s15+$0x1030]  }
0x27: {  	v11 =	vshll.u32 v2, $0xC;
	v2 =	vld [tilespmem:s15+$0x1040];
	v12 =	vshll.u32 v3, $0xC;
	v6 =	vshll.u32 v6, $0xC  }
0x28: {  	v3 =	vld [tilespmem:s15+$0x1050];
	v11 =	vadd.s32 v8, v11;
	v8 =	vshll.u32 v4, $0xC;
	v4 =	vshll.u32 v9, $0xC  }
0x29: {  	s16 =	simm.s32 $0x80;
	s17 =	simm.s32 $0x400;
	v10 =	vadd.s32 v10, v12;
	v9 =	vld [tilespmem:s15+$0x1060];
	[tilespmem:s15+$0x2000] =	vst v11;
	v1 =	vshll.u32 v1, $0xC;
	v0 =	vshll.u32 v0, $0xC  }
.LBB2_2:
0x2a: {  	p0 =	sne.s32 s17, $0x3E00;
	v11 =	vld [tilespmem:s16+$0x70];
	[tilespmem:s15+$0x2010] =	vst v10;
	v7 =	vadd.s32 v7, v8  }
0x2b: {  	v8 =	vld [tilespmem:s16+$0x1070];
	[tilespmem:s15+$0x2020] =	vst v7;
	v5 =	vadd.s32 v5, v6  }
0x2c: {  	v6 =	vld [tilespmem:s16+$0x0];
	[tilespmem:s15+$0x2030] =	vst v5;
	v2 =	vadd.s32 v2, v4  }
0x2d: {  	v4 =	vld [tilespmem:s16+$0x10];
	[tilespmem:s15+$0x2040] =	vst v2;
	v1 =	vadd.s32 v3, v1  }
0x2e: {  	v2 =	vld [tilespmem:s16+$0x20];
	[tilespmem:s15+$0x2050] =	vst v1;
	v0 =	vadd.s32 v9, v0  }
0x2f: {  	v1 =	vld [tilespmem:s16+$0x30];
	v3 =	vshll.u32 v11, $0xC;
	[tilespmem:s15+$0x2060] =	vst v0;
	s15 =	smov.u32 s16  }
0x30: {  	v0 =	vld [tilespmem:s15+$0x40];
	v3 =	vadd.s32 v8, v3  }
0x31: {  	v9 =	vshll.u32 v6, $0xC;
	v10 =	vld [tilespmem:s15+$0x50];
	[tilespmem:s15+$0x2070] =	vst v3  }
0x32: {  	v11 =	vshll.u32 v4, $0xC;
	v3 =	vld [tilespmem:s15+$0x60]  }
0x33: {  	v12 =	vld [tilespmem:s15+$0x1000];
	v8 =	vshll.u32 v2, $0xC  }
0x34: {  	v13 =	vld [tilespmem:s15+$0x1010];
	v6 =	vshll.u32 v1, $0xC  }
.Ltmp0:
0x35: {  	v7 =	vld [tilespmem:s15+$0x1020];
	v4 =	vshll.u32 v0, $0xC;
	(pc) =	sbr.rel @p0 .LBB2_2-.Ltmp0, $4  }
0x36: {  	v5 =	vld [tilespmem:s15+$0x1030];
	v1 =	vshll.u32 v10, $0xC  }
0x37: {  	v2 =	vld [tilespmem:s15+$0x1040];
	v0 =	vshll.u32 v3, $0xC  }
0x38: {  	v9 =	vadd.s32 v12, v9;
	v3 =	vld [tilespmem:s15+$0x1050]  }
0x39: {  	s16 =	sshra.s32 s17, $0x2;
	s17 =	sadd.s32 $0x200, s17;
	[tilespmem:s15+$0x2000] =	vst v9;
	v10 =	vadd.s32 v13, v11;
	v9 =	vld [tilespmem:s15+$0x1060]  }
0x3a: {  	v11 =	vld [tilespmem:s16+$0x70];
	[tilespmem:s15+$0x2010] =	vst v10;
	v7 =	vadd.s32 v7, v8  }
0x3b: {  	v50 =	vld [tilespmem:s16+$0x1070];
	[tilespmem:s15+$0x2020] =	vst v7;
	v5 =	vadd.s32 v5, v6  }
0x3c: {  	v51 =	vld [tilespmem:s16+$0x0];
	[tilespmem:s15+$0x2030] =	vst v5;
	v2 =	vadd.s32 v2, v4  }
0x3d: {  	v52 =	vld [tilespmem:s16+$0x10];
	[tilespmem:s15+$0x2040] =	vst v2;
	v1 =	vadd.s32 v3, v1  }
0x3e: {  	v2 =	vld [tilespmem:s16+$0x20];
	[tilespmem:s15+$0x2050] =	vst v1;
	v0 =	vadd.s32 v9, v0  }
0x3f: {  	v1 =	vld [tilespmem:s16+$0x30];
	[tilespmem:s15+$0x2060] =	vst v0  }
0x40: {  	v54 =	vld [tilespmem:s16+$0x40]  }
0x41: {  	v5 =	vld [tilespmem:s16+$0x50]  }
0x42: {  	v55 =	vld [tilespmem:s16+$0x60]  }
0x43: {  	v7 =	vld [tilespmem:s16+$0x1000]  }
0x44: {  	v56 =	vld [tilespmem:s16+$0x1010]  }
0x45: {  	v57 =	vld [tilespmem:s16+$0x1020]  }
0x46: {  	v53 =	vshll.u32 v11, $0xC;
	v10 =	vld [tilespmem:s16+$0x1030]  }
0x47: {  	v0 =	vadd.s32 v50, v53;
	v58 =	vld [tilespmem:s16+$0x1040];
	v6 =	vshll.u32 v51, $0xC  }
0x48: {  	v59 =	vld [tilespmem:s16+$0x1050];
	[tilespmem:s16+$0x2070] =	vst v0;
	v4 =	vshll.u32 v52, $0xC;
	v6 =	vadd.s32 v7, v6  }
0x49: {  	v60 =	vld [tilespmem:s16+$0x1060];
	v2 =	vshll.u32 v2, $0xC;
	v4 =	vadd.s32 v56, v4;
	[tilespmem:s16+$0x2000] =	vst v6  }
0x4a: {  	v1 =	vshll.u32 v1, $0xC;
	v2 =	vadd.s32 v57, v2;
	[tilespmem:s16+$0x2010] =	vst v4  }
0x4b: {  	v3 =	vshll.u32 v54, $0xC;
	v1 =	vadd.s32 v10, v1;
	[tilespmem:s16+$0x2020] =	vst v2  }
0x4c: {  	v61 =	vshll.u32 v5, $0xC;
	[tilespmem:s16+$0x2030] =	vst v1;
	v62 =	vadd.s32 v58, v3  }
0x4d: {  	s14 =	sadd.s32 $0x1, s14;
	v0 =	vshll.u32 v55, $0xC;
	v63 =	vadd.s32 v59, v61;
	[tilespmem:s16+$0x2040] =	vst v62  }
0x4e: {  	p0 =	sne.s32 s14, s7;
	v0 =	vadd.s32 v60, v0;
	[tilespmem:s16+$0x2050] =	vst v63  }
.Ltmp1:
0x4f: {  	[tilespmem:s16+$0x2060] =	vst v0;
	(pc) =	sbr.rel @p0 .LBB2_1-.Ltmp1, $4  }
0x50: {  	[hbm4b:s4+s8] =	stream.indirect.scatter [tilespmem:s9], [sflag:$0x1], $0x1, s12, s8, $0xb8;
	[tilespmem:$0x4000] =	vst v63  }
0x51: {  	_ =	swait.ge [sflag:s13], $0x1000  }
0x52: {  	[sflag:s13] =	ssyncset.done $0x0  }
0x53: {  	[sflag:s13] =	ssyncadd.s32 $0xFFFFF000  }
0x54: {  	_ =	sfence.sel $0x180000  }
0x55: {  	[bflag:$0x0] =	sbarrier.arrive $0xFFFF  }
0x56: {  	p0 =	sne.s32 s1, $0x0;
	_ =	strace $0x90000047  }
0x57: {  	s0 =	sadd.s32 @!p0 $0x100000, s0;
	[bflag:$0x2] =	sbarrier.arrive $0xFFFF  }
0x58: {  	[sflag:s0] =	ssyncadd.tile.s32 @!p0 $0x1;
	_ =	shalt  }
.Lfunc_end2:
_tile_overlayer_lowered:
.L_overlay_start_2:
0x59: {  	(tag) =	ssettag $0x2  }
0x5a: {  	s0 =	rddreg [dreg:$0x0];
	s2 =	stileid.u32  }
0x5b: {  	s1 =	rddreg [dreg:$0x1];
	p0 =	sne.s32 s2, $0x0  }
0x5c: {  	s3 =	rddreg [dreg:$0x2];
	[bflag:$0x3] =	sbarrier.arrive $0xFFFF;
	s2 =	simm.s32 @!p0 $0x1C03  }
0x5d: {  	[timem:s3], [sflag:s2] =	dma.local @!p0 [hbm:s0], s1  }
0x5e: {  	s0 =	simm.s32 @!p0 $0x3  }
0x5f: {  	_ =	swait.ge @!p0 [sflag:s0], s1  }
0x60: {  	s1 =	ssub.s32 @!p0 $0x0, s1;
	[sflag:s0] =	ssyncset.done @!p0 $0x0  }
0x61: {  	[sflag:s0] =	ssyncadd.s32 @!p0 s1  }
0x62: {  	[bflag:$0x3] =	sbarrier.arrive $0xFFFF  }
0x63: {  	_ =	shalt  }

</sc_bundles>
